<compile_context>
chip_gen: v7x
topology: tpu7x:2x2x1
jax: 0.10.2.dev20260603
libtpu: 0.0.44.dev20260713+nightly
codegen_flags: <defaults>
</compile_context>

<pallas_src>
import functools

import jax
import jax.numpy as jnp
from jax import lax
from jax.experimental import pallas as pl
from jax.experimental.pallas import tpu as pltpu
from jax.experimental.pallas import tpu_sc as plsc

K = 8192
D = 32
BETA = 0.25
EPS = 1e-05

BM = 256
CK = 2048
N_ROWS = 32 * 1024
N_STEPS = N_ROWS // BM
N_CHUNKS = K // CK


def _vq_body(x_ref, cbt_ref, ema_ref, idx_ref, loss_ref, perp_ref, acc_ref):
    i = pl.program_id(0)

    x = x_ref[...]
    cbt = cbt_ref[...]
    xb = x.astype(jnp.bfloat16)
    xn = jnp.sum(x * x, axis=1, keepdims=True)

    best_val = jnp.full((BM, 1), jnp.inf, dtype=jnp.float32)
    best_idx = jnp.full((BM, 1), K, dtype=jnp.int32)
    for c in range(N_CHUNKS):
        cbt_c = cbt[:, c * CK:(c + 1) * CK]
        cbt_b = cbt_c.astype(jnp.bfloat16)
        cn = jnp.sum(cbt_c * cbt_c, axis=0, keepdims=True)
        dot = lax.dot_general(
            xb, cbt_b,
            (((1,), (0,)), ((), ())),
            preferred_element_type=jnp.float32)
        dist = xn + (-2.0 * dot) + cn
        cmin = jnp.min(dist, axis=1, keepdims=True)
        iota = lax.broadcasted_iota(jnp.int32, dist.shape, 1) + c * CK
        cidx = jnp.min(jnp.where(dist == cmin, iota, K), axis=1,
                       keepdims=True)
        take = cmin < best_val
        best_idx = jnp.where(take, cidx, best_idx)
        best_val = jnp.where(take, cmin, best_val)

    idx_ref[0, 0, :] = best_idx[:, 0]

    @pl.when(i == 0)
    def _init():
        acc_ref[...] = jnp.zeros((1, 1), jnp.float32)
        counts = jnp.maximum(ema_ref[...], EPS)
        probs = counts / (jnp.sum(counts) + EPS)
        entropy = -jnp.sum(probs * jnp.log(probs))
        perp_ref[...] = jnp.exp(entropy).reshape(1, 1)

    acc_ref[...] += jnp.sum(best_val).reshape(1, 1)

    @pl.when(i == N_STEPS - 1)
    def _fin():
        loss_ref[...] = acc_ref[...] * ((1.0 + BETA) / (N_ROWS * D))


_vq_call = pl.pallas_call(
    _vq_body,
    grid=(N_STEPS,),
    in_specs=[
        pl.BlockSpec((BM, D), lambda i: (i, 0)),
        pl.BlockSpec((D, K), lambda i: (0, 0)),
        pl.BlockSpec((64, 128), lambda i: (0, 0)),
    ],
    out_specs=[
        pl.BlockSpec((1, 1, BM), lambda i: (i, 0, 0)),
        pl.BlockSpec((1, 1), lambda i: (0, 0)),
        pl.BlockSpec((1, 1), lambda i: (0, 0)),
    ],
    out_shape=[
        jax.ShapeDtypeStruct((N_STEPS, 1, BM), jnp.int32),
        jax.ShapeDtypeStruct((1, 1), jnp.float32),
        jax.ShapeDtypeStruct((1, 1), jnp.float32),
    ],
    scratch_shapes=[pltpu.VMEM((1, 1), jnp.float32)],
)


_NW = 32
_B_PER_W = N_ROWS // _NW


@functools.cache
def _gather_rows_kernel():
    @functools.partial(
        pl.kernel,
        mesh=plsc.VectorSubcoreMesh(core_axis_name="c", subcore_axis_name="s"),
        out_type=jax.ShapeDtypeStruct((N_ROWS, D), jnp.float32),
        scratch_types=[
            pltpu.VMEM((_B_PER_W,), jnp.int32),
            pltpu.VMEM((_B_PER_W, D), jnp.float32),
            pltpu.SemaphoreType.DMA,
        ],
        compiler_params=pltpu.CompilerParams(use_tc_tiling_on_sc=False),
    )
    def _gather_rows(table_hbm, idx_hbm, out_hbm, idx_v, rows_v, sem):
        wid = lax.axis_index("s") * 2 + lax.axis_index("c")
        base = wid * _B_PER_W
        pltpu.sync_copy(idx_hbm.at[pl.ds(base, _B_PER_W)], idx_v)
        pltpu.async_copy(table_hbm.at[idx_v], rows_v, sem).wait()
        pltpu.sync_copy(rows_v, out_hbm.at[pl.ds(base, _B_PER_W)])

    return _gather_rows


def kernel(z, codebook, ema_cluster_size):
    B, Q, _ = z.shape
    x = z.reshape(N_ROWS, D)
    cbt = codebook.T
    ema = ema_cluster_size.reshape(64, 128)
    idx3, loss, perp = _vq_call(x, cbt, ema)
    idx_flat = idx3.reshape(N_ROWS)
    z_q = _gather_rows_kernel()(codebook, idx_flat).reshape(B, Q, D)
    return (z_q, loss[0, 0], idx_flat.reshape(B, Q), perp[0, 0])

# --- scband reference (transcript-rebuilt; emitter-appended) ---
"""Pipeline reference for scband-vector-quantizer-66889820668429 (READ-ONLY COPY).

The authoritative reference and input builder live on the scoring server;
editing this copy changes nothing except your own understanding.
"""

import jax, jax.numpy as jnp
import numpy as np

K = 8192
D = 32
BETA = 0.25
EPS = 1e-05

def setup_inputs(seed: int = 0) -> dict:
    key = jax.random.key(seed)
    k1, k2 = jax.random.split(key)
    z = jax.random.normal(k1, (32, 1024, 32), dtype=jnp.float32)
    codebook = jax.random.normal(k2, (K, D), dtype=jnp.float32)
    ema_cluster_size = jnp.zeros((K,), dtype=jnp.float32)
    return {"z": z, "codebook": codebook, "ema_cluster_size": ema_cluster_size}

def reference(z, codebook, ema_cluster_size):
    # Eval-mode forward of VectorQuantizer (no EMA updates / buffer writes / code resets).
    B, Q, D_input = z.shape
    flat_input = z.reshape(-1, D)
    # distances = ||x||^2 - 2 x.c^T + ||c||^2
    dist_sq_input = jnp.sum(flat_input ** 2, axis=1, keepdims=True)
    dist_sq_codebook = jnp.sum(codebook ** 2, axis=1)
    dist_dot_product = -2.0 * jnp.matmul(flat_input, codebook.T)
    distances = dist_sq_input + dist_dot_product + dist_sq_codebook
    indices = jnp.argmin(distances, axis=1)
    z_q = jnp.take(codebook, indices, axis=0).reshape(B, Q, D)
    codebook_loss = jnp.mean((z_q - jax.lax.stop_gradient(z)) ** 2)
    commitment_loss = jnp.mean((z - jax.lax.stop_gradient(z_q)) ** 2)
    vq_loss = codebook_loss + BETA * commitment_loss
    z_q_ste = z + jax.lax.stop_gradient(z_q - z)
    counts = jnp.maximum(ema_cluster_size, EPS)
    probs = counts / (jnp.sum(counts) + EPS)
    entropy = -jnp.sum(probs * jnp.log(probs))
    perplexity = jnp.exp(entropy)
    return (z_q_ste, vq_loss, indices.reshape(B, Q), jax.lax.stop_gradient(perplexity))

if __name__ == "__main__":
    import jax
    _d = setup_inputs()
    print(jax.jit(kernel)(*tuple(_d.values())))

</pallas_src>

<mosaic_0001>
#map = affine_map<(d0, d1) -> (0, 0)>
#map1 = affine_map<(d0, d1) -> (0)>
module attributes {stable_mosaic.version = 14 : i64} {
  func.func @_gather_rows(%arg0: i32, %arg1: i32, %arg2: memref<8192x32xf32, #tpu.memory_space<hbm>>, %arg3: memref<32768xi32, #tpu.memory_space<hbm>>, %arg4: memref<32768x32xf32, #tpu.memory_space<hbm>>, %arg5: memref<1024xi32, #tpu.memory_space<vmem>>, %arg6: memref<1024x32xf32, #tpu.memory_space<vmem>>, %arg7: memref<!tpu.dma_semaphore, #tpu.memory_space<semaphore_mem>>) attributes {dimension_semantics = [#tpu.dimension_semantics<core_parallel>, #tpu.dimension_semantics<subcore_parallel>], iteration_bounds = array<i64: 2, 16>, scalar_prefetch = 0 : i64, scratch_operands = 3 : i64, tpu.core_type = #tpu.core_type<sc_vector_subcore>, window_params = [{transform_indices = #map}, {transform_indices = #map1}, {transform_indices = #map}]} {
    %mul3A = arith.constant 2 : i32
    %mul3A_0 = arith.muli %arg1, %mul3A : i32
    %add3A = arith.addi %mul3A_0, %arg0 : i32
    %mul3A_1 = arith.constant 1024 : i32
    %mul3A_2 = arith.muli %add3A, %mul3A_1 : i32
    "tpu.region"() ({
      %run_scoped3A = tpu.sem_alloc : memref<!tpu.dma_semaphore, #tpu.memory_space<semaphore_mem>>
      %dma_start3A_7 = tpu.memref_slice %arg3[%mul3A_2] : memref<32768xi32, #tpu.memory_space<hbm>> -> memref<1024xi32, #tpu.memory_space<hbm>>
      %dma_start3A_8 = tpu.memref_slice %arg3[%mul3A_2] : memref<32768xi32, #tpu.memory_space<hbm>> -> memref<1024xi32, #tpu.memory_space<hbm>>
      tpu.enqueue_dma source(%dma_start3A_8 : memref<1024xi32, #tpu.memory_space<hbm>>) target(%arg5 : memref<1024xi32, #tpu.memory_space<vmem>>) target_semaphore(%run_scoped3A : memref<!tpu.dma_semaphore, #tpu.memory_space<semaphore_mem>>)
      %dma_wait3A_9 = tpu.memref_slice %arg3[%mul3A_2] : memref<32768xi32, #tpu.memory_space<hbm>> -> memref<1024xi32, #tpu.memory_space<hbm>>
      %dma_wait3A_10 = tpu.memref_slice %arg3[%mul3A_2] : memref<32768xi32, #tpu.memory_space<hbm>> -> memref<1024xi32, #tpu.memory_space<hbm>>
      tpu.wait_dma2 semaphore(%run_scoped3A : memref<!tpu.dma_semaphore, #tpu.memory_space<semaphore_mem>>) src(%dma_wait3A_10 : memref<1024xi32, #tpu.memory_space<hbm>>) dst(%arg5 : memref<1024xi32, #tpu.memory_space<vmem>>)
      tpu.yield
    }) : () -> ()
    %dma_start3A = arith.constant 0 : i32
    %dma_start3A_3 = arith.constant 0 : i32
    %dma_start3A_4 = tpu.memref_slice %arg2[%dma_start3A, %dma_start3A_3] : memref<8192x32xf32, #tpu.memory_space<hbm>> -> memref<8192x32xf32, #tpu.memory_space<hbm>>
    tpu.enqueue_indirect_dma source(%dma_start3A_4 : memref<8192x32xf32, #tpu.memory_space<hbm>>) target(%arg6 : memref<1024x32xf32, #tpu.memory_space<vmem>>) offsets(%arg5 : memref<1024xi32, #tpu.memory_space<vmem>>) semaphore(%arg7 : memref<!tpu.dma_semaphore, #tpu.memory_space<semaphore_mem>>)
    %dma_wait3A = arith.constant 0 : i32
    %dma_wait3A_5 = arith.constant 0 : i32
    %dma_wait3A_6 = tpu.memref_slice %arg2[%dma_wait3A, %dma_wait3A_5] : memref<8192x32xf32, #tpu.memory_space<hbm>> -> memref<8192x32xf32, #tpu.memory_space<hbm>>
    tpu.wait_indirect_dma semaphore(%arg7 : memref<!tpu.dma_semaphore, #tpu.memory_space<semaphore_mem>>) src(%dma_wait3A_6 : memref<8192x32xf32, #tpu.memory_space<hbm>>) dst(%arg6 : memref<1024x32xf32, #tpu.memory_space<vmem>>)
    "tpu.region"() ({
      %run_scoped3A = tpu.sem_alloc : memref<!tpu.dma_semaphore, #tpu.memory_space<semaphore_mem>>
      %dma_start3A_7 = arith.constant 0 : i32
      %dma_start3A_8 = tpu.memref_slice %arg4[%mul3A_2, %dma_start3A_7] : memref<32768x32xf32, #tpu.memory_space<hbm>> -> memref<1024x32xf32, #tpu.memory_space<hbm>>
      %dma_start3A_9 = arith.constant 0 : i32
      %dma_start3A_10 = tpu.memref_slice %arg4[%mul3A_2, %dma_start3A_9] : memref<32768x32xf32, #tpu.memory_space<hbm>> -> memref<1024x32xf32, #tpu.memory_space<hbm>>
      tpu.enqueue_dma source(%arg6 : memref<1024x32xf32, #tpu.memory_space<vmem>>) target(%dma_start3A_10 : memref<1024x32xf32, #tpu.memory_space<hbm>>) target_semaphore(%run_scoped3A : memref<!tpu.dma_semaphore, #tpu.memory_space<semaphore_mem>>)
      %dma_wait3A_11 = arith.constant 0 : i32
      %dma_wait3A_12 = tpu.memref_slice %arg4[%mul3A_2, %dma_wait3A_11] : memref<32768x32xf32, #tpu.memory_space<hbm>> -> memref<1024x32xf32, #tpu.memory_space<hbm>>
      %dma_wait3A_13 = arith.constant 0 : i32
      %dma_wait3A_14 = tpu.memref_slice %arg4[%mul3A_2, %dma_wait3A_13] : memref<32768x32xf32, #tpu.memory_space<hbm>> -> memref<1024x32xf32, #tpu.memory_space<hbm>>
      tpu.wait_dma2 semaphore(%run_scoped3A : memref<!tpu.dma_semaphore, #tpu.memory_space<semaphore_mem>>) src(%arg6 : memref<1024x32xf32, #tpu.memory_space<vmem>>) dst(%dma_wait3A_14 : memref<1024x32xf32, #tpu.memory_space<hbm>>)
      tpu.yield
    }) : () -> ()
    return
  }
}

module attributes {stable_mosaic.version = 14 : i64} {
  func.func @_vq_body(%arg0: i32, %arg1: memref<256x32xf32, #tpu.memory_space<vmem>>, %arg2: memref<32x8192xf32, #tpu.memory_space<vmem>>, %arg3: memref<64x128xf32, #tpu.memory_space<vmem>>, %arg4: memref<1x1x256xi32, #tpu.memory_space<vmem>>, %arg5: memref<1x1xf32, #tpu.memory_space<vmem>>, %arg6: memref<1x1xf32, #tpu.memory_space<vmem>>, %arg7: memref<1x1xf32, #tpu.memory_space<vmem>>) attributes {dimension_semantics = [#tpu.dimension_semantics<arbitrary>], iteration_bounds = array<i64: 128>, scalar_prefetch = 0 : i64, scratch_operands = 1 : i64, tpu.core_type = #tpu.core_type<tc>, window_params = [{transform_indices = @transform_0, window_bounds = array<i64: 256, 32>}, {pipeline_mode = #tpu.pipeline_mode<synchronous>, transform_indices = @transform_1, window_bounds = array<i64: 32, 8192>}, {pipeline_mode = #tpu.pipeline_mode<synchronous>, transform_indices = @transform_2, window_bounds = array<i64: 64, 128>}, {transform_indices = @transform_3, window_bounds = array<i64: 1, 1, 256>}, {pipeline_mode = #tpu.pipeline_mode<synchronous>, transform_indices = @transform_4, window_bounds = array<i64: 1, 1>}, {pipeline_mode = #tpu.pipeline_mode<synchronous>, transform_indices = @transform_5, window_bounds = array<i64: 1, 1>}]} {
    %get3A = arith.constant 0 : index
    %get3A_0 = arith.constant 0 : index
    %get3A_1 = vector.load %arg1[%get3A, %get3A_0] : memref<256x32xf32, #tpu.memory_space<vmem>>, vector<256x32xf32>
    %get3A_2 = arith.constant 0 : index
    %get3A_3 = arith.constant 0 : index
    %get3A_4 = vector.load %arg2[%get3A_2, %get3A_3] : memref<32x8192xf32, #tpu.memory_space<vmem>>, vector<32x8192xf32>
    %convert_element_type3A = arith.truncf %get3A_1 : vector<256x32xf32> to vector<256x32xbf16>
    %mul3A = arith.mulf %get3A_1, %get3A_1 : vector<256x32xf32>
    %reduce_sum3A = arith.constant dense<0.000000e+00> : vector<256xf32>
    %reduce_sum3A_5 = vector.multi_reduction <add>, %mul3A, %reduce_sum3A [1] : vector<256x32xf32> to vector<256xf32>
    %broadcast_in_dim3A = vector.shape_cast %reduce_sum3A_5 : vector<256xf32> to vector<256x1xf32>
    %broadcast_in_dim3A_6 = arith.constant 0x7F800000 : f32
    %broadcast_in_dim3A_7 = vector.broadcast %broadcast_in_dim3A_6 : f32 to vector<256x1xf32>
    %broadcast_in_dim3A_8 = arith.constant 8192 : i32
    %broadcast_in_dim3A_9 = vector.broadcast %broadcast_in_dim3A_8 : i32 to vector<256x1xi32>
    %slice3A = vector.extract_strided_slice %get3A_4 {offsets = [0, 0], sizes = [32, 2048], strides = [1, 1]} : vector<32x8192xf32> to vector<32x2048xf32>
    %convert_element_type3A_10 = arith.truncf %slice3A : vector<32x2048xf32> to vector<32x2048xbf16>
    %mul3A_11 = arith.mulf %slice3A, %slice3A : vector<32x2048xf32>
    %reduce_sum3A_12 = arith.constant dense<0.000000e+00> : vector<2048xf32>
    %reduce_sum3A_13 = vector.multi_reduction <add>, %mul3A_11, %reduce_sum3A_12 [0] : vector<32x2048xf32> to vector<2048xf32>
    %broadcast_in_dim3A_14 = vector.shape_cast %reduce_sum3A_13 : vector<2048xf32> to vector<1x2048xf32>
    %dot_general3A = arith.constant dense<0.000000e+00> : vector<256x2048xf32>
    %dot_general3A_15 = tpu.matmul %convert_element_type3A, %convert_element_type3A_10, %dot_general3A {dimension_numbers = #tpu.dot_dimension_numbers<[1], [0], [0], [1], [0, 0, 1, 1], [], []>, transpose_lhs_hint = false} : vector<256x32xbf16>, vector<32x2048xbf16>, vector<256x2048xf32> -> vector<256x2048xf32>
    %mul3A_16 = arith.constant -2.000000e+00 : f32
    %mul3A_17 = vector.broadcast %mul3A_16 : f32 to vector<256x2048xf32>
    %mul3A_18 = arith.mulf %mul3A_17, %dot_general3A_15 : vector<256x2048xf32>
    %add3A = vector.broadcast %broadcast_in_dim3A : vector<256x1xf32> to vector<256x2048xf32>
    %add3A_19 = arith.addf %add3A, %mul3A_18 : vector<256x2048xf32>
    %add3A_20 = vector.broadcast %broadcast_in_dim3A_14 : vector<1x2048xf32> to vector<256x2048xf32>
    %add3A_21 = arith.addf %add3A_19, %add3A_20 : vector<256x2048xf32>
    %reduce_min3A = arith.constant dense<0x7F800000> : vector<256xf32>
    %reduce_min3A_22 = vector.multi_reduction <minimumf>, %add3A_21, %reduce_min3A [1] : vector<256x2048xf32> to vector<256xf32>
    %broadcast_in_dim3A_23 = vector.shape_cast %reduce_min3A_22 : vector<256xf32> to vector<256x1xf32>
    %iota3A = tpu.iota {dimensions = array<i32: 1>} : vector<256x2048xi32>
    %add3A_24 = arith.constant 0 : i32
    %add3A_25 = vector.broadcast %add3A_24 : i32 to vector<256x2048xi32>
    %add3A_26 = arith.addi %iota3A, %add3A_25 : vector<256x2048xi32>
    %eq3A = vector.broadcast %broadcast_in_dim3A_23 : vector<256x1xf32> to vector<256x2048xf32>
    %eq3A_27 = arith.cmpf oeq, %add3A_21, %eq3A : vector<256x2048xf32>
    %jit3A = arith.constant 8192 : i32
    %broadcast_in_dim3A_28 = vector.broadcast %jit3A : i32 to vector<256x2048xi32>
    %select_n3A = arith.select %eq3A_27, %add3A_26, %broadcast_in_dim3A_28 : vector<256x2048xi1>, vector<256x2048xi32>
    %reduce_min3A_29 = arith.constant dense<2147483647> : vector<256xi32>
    %reduce_min3A_30 = vector.multi_reduction <minsi>, %select_n3A, %reduce_min3A_29 [1] : vector<256x2048xi32> to vector<256xi32>
    %broadcast_in_dim3A_31 = vector.shape_cast %reduce_min3A_30 : vector<256xi32> to vector<256x1xi32>
    %lt3A = arith.cmpf olt, %broadcast_in_dim3A_23, %broadcast_in_dim3A_7 : vector<256x1xf32>
    %select_n3A_32 = arith.select %lt3A, %broadcast_in_dim3A_31, %broadcast_in_dim3A_9 : vector<256x1xi1>, vector<256x1xi32>
    %select_n3A_33 = arith.select %lt3A, %broadcast_in_dim3A_23, %broadcast_in_dim3A_7 : vector<256x1xi1>, vector<256x1xf32>
    %slice3A_34 = vector.extract_strided_slice %get3A_4 {offsets = [0, 2048], sizes = [32, 2048], strides = [1, 1]} : vector<32x8192xf32> to vector<32x2048xf32>
    %convert_element_type3A_35 = arith.truncf %slice3A_34 : vector<32x2048xf32> to vector<32x2048xbf16>
    %mul3A_36 = arith.mulf %slice3A_34, %slice3A_34 : vector<32x2048xf32>
    %reduce_sum3A_37 = arith.constant dense<0.000000e+00> : vector<2048xf32>
    %reduce_sum3A_38 = vector.multi_reduction <add>, %mul3A_36, %reduce_sum3A_37 [0] : vector<32x2048xf32> to vector<2048xf32>
    %broadcast_in_dim3A_39 = vector.shape_cast %reduce_sum3A_38 : vector<2048xf32> to vector<1x2048xf32>
    %dot_general3A_40 = arith.constant dense<0.000000e+00> : vector<256x2048xf32>
    %dot_general3A_41 = tpu.matmul %convert_element_type3A, %convert_element_type3A_35, %dot_general3A_40 {dimension_numbers = #tpu.dot_dimension_numbers<[1], [0], [0], [1], [0, 0, 1, 1], [], []>, transpose_lhs_hint = false} : vector<256x32xbf16>, vector<32x2048xbf16>, vector<256x2048xf32> -> vector<256x2048xf32>
    %mul3A_42 = arith.constant -2.000000e+00 : f32
    %mul3A_43 = vector.broadcast %mul3A_42 : f32 to vector<256x2048xf32>
    %mul3A_44 = arith.mulf %mul3A_43, %dot_general3A_41 : vector<256x2048xf32>
    %add3A_45 = vector.broadcast %broadcast_in_dim3A : vector<256x1xf32> to vector<256x2048xf32>
    %add3A_46 = arith.addf %add3A_45, %mul3A_44 : vector<256x2048xf32>
    %add3A_47 = vector.broadcast %broadcast_in_dim3A_39 : vector<1x2048xf32> to vector<256x2048xf32>
    %add3A_48 = arith.addf %add3A_46, %add3A_47 : vector<256x2048xf32>
    %reduce_min3A_49 = arith.constant dense<0x7F800000> : vector<256xf32>
    %reduce_min3A_50 = vector.multi_reduction <minimumf>, %add3A_48, %reduce_min3A_49 [1] : vector<256x2048xf32> to vector<256xf32>
    %broadcast_in_dim3A_51 = vector.shape_cast %reduce_min3A_50 : vector<256xf32> to vector<256x1xf32>
    %iota3A_52 = tpu.iota {dimensions = array<i32: 1>} : vector<256x2048xi32>
    %add3A_53 = arith.constant 2048 : i32
    %add3A_54 = vector.broadcast %add3A_53 : i32 to vector<256x2048xi32>
    %add3A_55 = arith.addi %iota3A_52, %add3A_54 : vector<256x2048xi32>
    %eq3A_56 = vector.broadcast %broadcast_in_dim3A_51 : vector<256x1xf32> to vector<256x2048xf32>
    %eq3A_57 = arith.cmpf oeq, %add3A_48, %eq3A_56 : vector<256x2048xf32>
    %jit3A_58 = arith.constant 8192 : i32
    %broadcast_in_dim3A_59 = vector.broadcast %jit3A_58 : i32 to vector<256x2048xi32>
    %select_n3A_60 = arith.select %eq3A_57, %add3A_55, %broadcast_in_dim3A_59 : vector<256x2048xi1>, vector<256x2048xi32>
    %reduce_min3A_61 = arith.constant dense<2147483647> : vector<256xi32>
    %reduce_min3A_62 = vector.multi_reduction <minsi>, %select_n3A_60, %reduce_min3A_61 [1] : vector<256x2048xi32> to vector<256xi32>
    %broadcast_in_dim3A_63 = vector.shape_cast %reduce_min3A_62 : vector<256xi32> to vector<256x1xi32>
    %lt3A_64 = arith.cmpf olt, %broadcast_in_dim3A_51, %select_n3A_33 : vector<256x1xf32>
    %select_n3A_65 = arith.select %lt3A_64, %broadcast_in_dim3A_63, %select_n3A_32 : vector<256x1xi1>, vector<256x1xi32>
    %select_n3A_66 = arith.select %lt3A_64, %broadcast_in_dim3A_51, %select_n3A_33 : vector<256x1xi1>, vector<256x1xf32>
    %slice3A_67 = vector.extract_strided_slice %get3A_4 {offsets = [0, 4096], sizes = [32, 2048], strides = [1, 1]} : vector<32x8192xf32> to vector<32x2048xf32>
    %convert_element_type3A_68 = arith.truncf %slice3A_67 : vector<32x2048xf32> to vector<32x2048xbf16>
    %mul3A_69 = arith.mulf %slice3A_67, %slice3A_67 : vector<32x2048xf32>
    %reduce_sum3A_70 = arith.constant dense<0.000000e+00> : vector<2048xf32>
    %reduce_sum3A_71 = vector.multi_reduction <add>, %mul3A_69, %reduce_sum3A_70 [0] : vector<32x2048xf32> to vector<2048xf32>
    %broadcast_in_dim3A_72 = vector.shape_cast %reduce_sum3A_71 : vector<2048xf32> to vector<1x2048xf32>
    %dot_general3A_73 = arith.constant dense<0.000000e+00> : vector<256x2048xf32>
    %dot_general3A_74 = tpu.matmul %convert_element_type3A, %convert_element_type3A_68, %dot_general3A_73 {dimension_numbers = #tpu.dot_dimension_numbers<[1], [0], [0], [1], [0, 0, 1, 1], [], []>, transpose_lhs_hint = false} : vector<256x32xbf16>, vector<32x2048xbf16>, vector<256x2048xf32> -> vector<256x2048xf32>
    %mul3A_75 = arith.constant -2.000000e+00 : f32
    %mul3A_76 = vector.broadcast %mul3A_75 : f32 to vector<256x2048xf32>
    %mul3A_77 = arith.mulf %mul3A_76, %dot_general3A_74 : vector<256x2048xf32>
    %add3A_78 = vector.broadcast %broadcast_in_dim3A : vector<256x1xf32> to vector<256x2048xf32>
    %add3A_79 = arith.addf %add3A_78, %mul3A_77 : vector<256x2048xf32>
    %add3A_80 = vector.broadcast %broadcast_in_dim3A_72 : vector<1x2048xf32> to vector<256x2048xf32>
    %add3A_81 = arith.addf %add3A_79, %add3A_80 : vector<256x2048xf32>
    %reduce_min3A_82 = arith.constant dense<0x7F800000> : vector<256xf32>
    %reduce_min3A_83 = vector.multi_reduction <minimumf>, %add3A_81, %reduce_min3A_82 [1] : vector<256x2048xf32> to vector<256xf32>
    %broadcast_in_dim3A_84 = vector.shape_cast %reduce_min3A_83 : vector<256xf32> to vector<256x1xf32>
    %iota3A_85 = tpu.iota {dimensions = array<i32: 1>} : vector<256x2048xi32>
    %add3A_86 = arith.constant 4096 : i32
    %add3A_87 = vector.broadcast %add3A_86 : i32 to vector<256x2048xi32>
    %add3A_88 = arith.addi %iota3A_85, %add3A_87 : vector<256x2048xi32>
    %eq3A_89 = vector.broadcast %broadcast_in_dim3A_84 : vector<256x1xf32> to vector<256x2048xf32>
    %eq3A_90 = arith.cmpf oeq, %add3A_81, %eq3A_89 : vector<256x2048xf32>
    %jit3A_91 = arith.constant 8192 : i32
    %broadcast_in_dim3A_92 = vector.broadcast %jit3A_91 : i32 to vector<256x2048xi32>
    %select_n3A_93 = arith.select %eq3A_90, %add3A_88, %broadcast_in_dim3A_92 : vector<256x2048xi1>, vector<256x2048xi32>
    %reduce_min3A_94 = arith.constant dense<2147483647> : vector<256xi32>
    %reduce_min3A_95 = vector.multi_reduction <minsi>, %select_n3A_93, %reduce_min3A_94 [1] : vector<256x2048xi32> to vector<256xi32>
    %broadcast_in_dim3A_96 = vector.shape_cast %reduce_min3A_95 : vector<256xi32> to vector<256x1xi32>
    %lt3A_97 = arith.cmpf olt, %broadcast_in_dim3A_84, %select_n3A_66 : vector<256x1xf32>
    %select_n3A_98 = arith.select %lt3A_97, %broadcast_in_dim3A_96, %select_n3A_65 : vector<256x1xi1>, vector<256x1xi32>
    %select_n3A_99 = arith.select %lt3A_97, %broadcast_in_dim3A_84, %select_n3A_66 : vector<256x1xi1>, vector<256x1xf32>
    %slice3A_100 = vector.extract_strided_slice %get3A_4 {offsets = [0, 6144], sizes = [32, 2048], strides = [1, 1]} : vector<32x8192xf32> to vector<32x2048xf32>
    %convert_element_type3A_101 = arith.truncf %slice3A_100 : vector<32x2048xf32> to vector<32x2048xbf16>
    %mul3A_102 = arith.mulf %slice3A_100, %slice3A_100 : vector<32x2048xf32>
    %reduce_sum3A_103 = arith.constant dense<0.000000e+00> : vector<2048xf32>
    %reduce_sum3A_104 = vector.multi_reduction <add>, %mul3A_102, %reduce_sum3A_103 [0] : vector<32x2048xf32> to vector<2048xf32>
    %broadcast_in_dim3A_105 = vector.shape_cast %reduce_sum3A_104 : vector<2048xf32> to vector<1x2048xf32>
    %dot_general3A_106 = arith.constant dense<0.000000e+00> : vector<256x2048xf32>
    %dot_general3A_107 = tpu.matmul %convert_element_type3A, %convert_element_type3A_101, %dot_general3A_106 {dimension_numbers = #tpu.dot_dimension_numbers<[1], [0], [0], [1], [0, 0, 1, 1], [], []>, transpose_lhs_hint = false} : vector<256x32xbf16>, vector<32x2048xbf16>, vector<256x2048xf32> -> vector<256x2048xf32>
    %mul3A_108 = arith.constant -2.000000e+00 : f32
    %mul3A_109 = vector.broadcast %mul3A_108 : f32 to vector<256x2048xf32>
    %mul3A_110 = arith.mulf %mul3A_109, %dot_general3A_107 : vector<256x2048xf32>
    %add3A_111 = vector.broadcast %broadcast_in_dim3A : vector<256x1xf32> to vector<256x2048xf32>
    %add3A_112 = arith.addf %add3A_111, %mul3A_110 : vector<256x2048xf32>
    %add3A_113 = vector.broadcast %broadcast_in_dim3A_105 : vector<1x2048xf32> to vector<256x2048xf32>
    %add3A_114 = arith.addf %add3A_112, %add3A_113 : vector<256x2048xf32>
    %reduce_min3A_115 = arith.constant dense<0x7F800000> : vector<256xf32>
    %reduce_min3A_116 = vector.multi_reduction <minimumf>, %add3A_114, %reduce_min3A_115 [1] : vector<256x2048xf32> to vector<256xf32>
    %broadcast_in_dim3A_117 = vector.shape_cast %reduce_min3A_116 : vector<256xf32> to vector<256x1xf32>
    %iota3A_118 = tpu.iota {dimensions = array<i32: 1>} : vector<256x2048xi32>
    %add3A_119 = arith.constant 6144 : i32
    %add3A_120 = vector.broadcast %add3A_119 : i32 to vector<256x2048xi32>
    %add3A_121 = arith.addi %iota3A_118, %add3A_120 : vector<256x2048xi32>
    %eq3A_122 = vector.broadcast %broadcast_in_dim3A_117 : vector<256x1xf32> to vector<256x2048xf32>
    %eq3A_123 = arith.cmpf oeq, %add3A_114, %eq3A_122 : vector<256x2048xf32>
    %jit3A_124 = arith.constant 8192 : i32
    %broadcast_in_dim3A_125 = vector.broadcast %jit3A_124 : i32 to vector<256x2048xi32>
    %select_n3A_126 = arith.select %eq3A_123, %add3A_121, %broadcast_in_dim3A_125 : vector<256x2048xi1>, vector<256x2048xi32>
    %reduce_min3A_127 = arith.constant dense<2147483647> : vector<256xi32>
    %reduce_min3A_128 = vector.multi_reduction <minsi>, %select_n3A_126, %reduce_min3A_127 [1] : vector<256x2048xi32> to vector<256xi32>
    %broadcast_in_dim3A_129 = vector.shape_cast %reduce_min3A_128 : vector<256xi32> to vector<256x1xi32>
    %lt3A_130 = arith.cmpf olt, %broadcast_in_dim3A_117, %select_n3A_99 : vector<256x1xf32>
    %select_n3A_131 = arith.select %lt3A_130, %broadcast_in_dim3A_129, %select_n3A_98 : vector<256x1xi1>, vector<256x1xi32>
    %select_n3A_132 = arith.select %lt3A_130, %broadcast_in_dim3A_117, %select_n3A_99 : vector<256x1xi1>, vector<256x1xf32>
    %squeeze3A = vector.shape_cast %select_n3A_131 : vector<256x1xi32> to vector<256xi32>
    %swap3A = arith.constant 0 : index
    %swap3A_133 = arith.constant 0 : index
    %swap3A_134 = arith.constant 0 : index
    %swap3A_135 = vector.load %arg4[%swap3A, %swap3A_133, %swap3A_134] : memref<1x1x256xi32, #tpu.memory_space<vmem>>, vector<1x1x256xi32>
    %swap3A_136 = vector.shape_cast %swap3A_135 : vector<1x1x256xi32> to vector<256xi32>
    %swap3A_137 = vector.shape_cast %squeeze3A : vector<256xi32> to vector<1x1x256xi32>
    tpu.vector_store %arg4[%swap3A, %swap3A_133, %swap3A_134], %swap3A_137 {strides = array<i32>} : memref<1x1x256xi32, #tpu.memory_space<vmem>>, vector<1x1x256xi32>,
    %eq3A_138 = arith.constant 0 : i32
    %eq3A_139 = arith.cmpi eq, %arg0, %eq3A_138 : i32
    %convert_element_type3A_140 = arith.extui %eq3A_139 : i1 to i32
    %cond3A = arith.constant 0 : i32
    %cond3A_141 = arith.cmpi ne, %convert_element_type3A_140, %cond3A : i32
    scf.if %cond3A_141 {
      %broadcast_in_dim3A_159 = arith.constant 0.000000e+00 : f32
      %broadcast_in_dim3A_160 = vector.broadcast %broadcast_in_dim3A_159 : f32 to vector<1x1xf32>
      %swap3A_161 = arith.constant 0 : index
      %swap3A_162 = arith.constant 0 : index
      %swap3A_163 = vector.load %arg7[%swap3A_161, %swap3A_162] : memref<1x1xf32, #tpu.memory_space<vmem>>, vector<1x1xf32>
      tpu.vector_store %arg7[%swap3A_161, %swap3A_162], %broadcast_in_dim3A_160 {strides = array<i32>} : memref<1x1xf32, #tpu.memory_space<vmem>>, vector<1x1xf32>,
      %get3A_164 = arith.constant 0 : index
      %get3A_165 = arith.constant 0 : index
      %get3A_166 = vector.load %arg3[%get3A_164, %get3A_165] : memref<64x128xf32, #tpu.memory_space<vmem>>, vector<64x128xf32>
      %max3A = arith.constant 9.99999974E-6 : f32
      %max3A_167 = vector.broadcast %max3A : f32 to vector<64x128xf32>
      %max3A_168 = arith.maximumf %get3A_166, %max3A_167 : vector<64x128xf32>
      %reduce_sum3A_169 = vector.shape_cast %max3A_168 : vector<64x128xf32> to vector<1x64x128xf32>
      %reduce_sum3A_170 = arith.constant dense<0.000000e+00> : vector<1xf32>
      %reduce_sum3A_171 = vector.multi_reduction <add>, %reduce_sum3A_169, %reduce_sum3A_170 [1, 2] : vector<1x64x128xf32> to vector<1xf32>
      %reduce_sum3A_172 = vector.shape_cast %reduce_sum3A_171 : vector<1xf32> to vector<1x1x1xf32>
      %reduce_sum3A_173 = vector.extract %reduce_sum3A_172[0, 0, 0] : f32 from vector<1x1x1xf32>
      %add3A_174 = arith.constant 9.99999974E-6 : f32
      %add3A_175 = arith.addf %reduce_sum3A_173, %add3A_174 : f32
      %div3A = vector.broadcast %add3A_175 : f32 to vector<64x128xf32>
      %div3A_176 = arith.divf %max3A_168, %div3A : vector<64x128xf32>
      %log3A = math.log %div3A_176 : vector<64x128xf32>
      %mul3A_177 = arith.mulf %div3A_176, %log3A : vector<64x128xf32>
      %reduce_sum3A_178 = vector.shape_cast %mul3A_177 : vector<64x128xf32> to vector<1x64x128xf32>
      %reduce_sum3A_179 = arith.constant dense<0.000000e+00> : vector<1xf32>
      %reduce_sum3A_180 = vector.multi_reduction <add>, %reduce_sum3A_178, %reduce_sum3A_179 [1, 2] : vector<1x64x128xf32> to vector<1xf32>
      %reduce_sum3A_181 = vector.shape_cast %reduce_sum3A_180 : vector<1xf32> to vector<1x1x1xf32>
      %reduce_sum3A_182 = vector.extract %reduce_sum3A_181[0, 0, 0] : f32 from vector<1x1x1xf32>
      %neg3A = arith.constant 0.000000e+00 : f32
      %neg3A_183 = arith.subf %neg3A, %reduce_sum3A_182 : f32
      %exp3A = math.exp %neg3A_183 : f32
      %reshape3A_184 = vector.broadcast %exp3A : f32 to vector<1x1xf32>
      %swap3A_185 = arith.constant 0 : index
      %swap3A_186 = arith.constant 0 : index
      %swap3A_187 = vector.load %arg6[%swap3A_185, %swap3A_186] : memref<1x1xf32, #tpu.memory_space<vmem>>, vector<1x1xf32>
      tpu.vector_store %arg6[%swap3A_185, %swap3A_186], %reshape3A_184 {strides = array<i32>} : memref<1x1xf32, #tpu.memory_space<vmem>>, vector<1x1xf32>,
    } else {
    }
    %get3A_142 = arith.constant 0 : index
    %get3A_143 = arith.constant 0 : index
    %get3A_144 = vector.load %arg7[%get3A_142, %get3A_143] : memref<1x1xf32, #tpu.memory_space<vmem>>, vector<1x1xf32>
    %reduce_sum3A_145 = vector.shape_cast %select_n3A_132 : vector<256x1xf32> to vector<1x256x1xf32>
    %reduce_sum3A_146 = arith.constant dense<0.000000e+00> : vector<1xf32>
    %reduce_sum3A_147 = vector.multi_reduction <add>, %reduce_sum3A_145, %reduce_sum3A_146 [1, 2] : vector<1x256x1xf32> to vector<1xf32>
    %reduce_sum3A_148 = vector.shape_cast %reduce_sum3A_147 : vector<1xf32> to vector<1x1x1xf32>
    %reduce_sum3A_149 = vector.extract %reduce_sum3A_148[0, 0, 0] : f32 from vector<1x1x1xf32>
    %reshape3A = vector.broadcast %reduce_sum3A_149 : f32 to vector<1x1xf32>
    %add3A_150 = arith.addf %get3A_144, %reshape3A : vector<1x1xf32>
    %swap3A_151 = arith.constant 0 : index
    %swap3A_152 = arith.constant 0 : index
    %swap3A_153 = vector.load %arg7[%swap3A_151, %swap3A_152] : memref<1x1xf32, #tpu.memory_space<vmem>>, vector<1x1xf32>
    tpu.vector_store %arg7[%swap3A_151, %swap3A_152], %add3A_150 {strides = array<i32>} : memref<1x1xf32, #tpu.memory_space<vmem>>, vector<1x1xf32>,
    %eq3A_154 = arith.constant 127 : i32
    %eq3A_155 = arith.cmpi eq, %arg0, %eq3A_154 : i32
    %convert_element_type3A_156 = arith.extui %eq3A_155 : i1 to i32
    %cond3A_157 = arith.constant 0 : i32
    %cond3A_158 = arith.cmpi ne, %convert_element_type3A_156, %cond3A_157 : i32
    scf.if %cond3A_158 {
      %get3A_159 = arith.constant 0 : index
      %get3A_160 = arith.constant 0 : index
      %get3A_161 = vector.load %arg7[%get3A_159, %get3A_160] : memref<1x1xf32, #tpu.memory_space<vmem>>, vector<1x1xf32>
      %mul3A_162 = arith.constant 1.1920929E-6 : f32
      %mul3A_163 = vector.broadcast %mul3A_162 : f32 to vector<1x1xf32>
      %mul3A_164 = arith.mulf %get3A_161, %mul3A_163 : vector<1x1xf32>
      %swap3A_165 = arith.constant 0 : index
      %swap3A_166 = arith.constant 0 : index
      %swap3A_167 = vector.load %arg5[%swap3A_165, %swap3A_166] : memref<1x1xf32, #tpu.memory_space<vmem>>, vector<1x1xf32>
      tpu.vector_store %arg5[%swap3A_165, %swap3A_166], %mul3A_164 {strides = array<i32>} : memref<1x1xf32, #tpu.memory_space<vmem>>, vector<1x1xf32>,
    } else {
    }
    return
  }
  func.func @transform_0(%arg0: i32) -> (i32, i32) {
    %c0_i32 = arith.constant 0 : i32
    %c0_i32_0 = arith.constant 0 : i32
    return %arg0, %c0_i32 : i32, i32
  }
  func.func @transform_1(%arg0: i32) -> (i32, i32) {
    %c0_i32 = arith.constant 0 : i32
    %c0_i32_0 = arith.constant 0 : i32
    %c0_i32_1 = arith.constant 0 : i32
    return %c0_i32, %c0_i32_0 : i32, i32
  }
  func.func @transform_2(%arg0: i32) -> (i32, i32) {
    %c0_i32 = arith.constant 0 : i32
    %c0_i32_0 = arith.constant 0 : i32
    %c0_i32_1 = arith.constant 0 : i32
    return %c0_i32, %c0_i32_0 : i32, i32
  }
  func.func @transform_3(%arg0: i32) -> (i32, i32, i32) {
    %c0_i32 = arith.constant 0 : i32
    %c0_i32_0 = arith.constant 0 : i32
    %c0_i32_1 = arith.constant 0 : i32
    return %arg0, %c0_i32, %c0_i32_0 : i32, i32, i32
  }
  func.func @transform_4(%arg0: i32) -> (i32, i32) {
    %c0_i32 = arith.constant 0 : i32
    %c0_i32_0 = arith.constant 0 : i32
    %c0_i32_1 = arith.constant 0 : i32
    return %c0_i32, %c0_i32_0 : i32, i32
  }
  func.func @transform_5(%arg0: i32) -> (i32, i32) {
    %c0_i32 = arith.constant 0 : i32
    %c0_i32_0 = arith.constant 0 : i32
    %c0_i32_1 = arith.constant 0 : i32
    return %c0_i32, %c0_i32_0 : i32, i32
  }
}

</mosaic_0001>

<sc_bundles>
// kernel: kernel.4.cloned.1.call-start
scs
__scs_entry_jumppad:
0x0: {  	(pc) =	sbr.rel $0x88, $3  }
0x1: {  	(tag) =	ssettag $0x0;
	lr =	simm.s32 $0x1  }
0x2: {  	[smem:$0x3F9E] =	sst lr;
	_ =	strace $0xD0000000  }
0x3: {  	_ = 	snop  }
0x4: {  	_ = 	snop  }
0x5: {  	_ = 	snop  }
0x6: {  	_ = 	snop  }
0x7: {  	_ = 	snop  }
__scs_overlays_trampoline_lowered:
0x8: {  	[smem:$0x3FAD] =	sst s0  }
0x9: {  	[smem:$0x3FAE] =	sst s1  }
0xa: {  	[smem:$0x3FAF] =	sst s2  }
0xb: {  	[smem:$0x3FB0] =	sst s3  }
0xc: {  	[smem:$0x3FB1] =	sst s4  }
0xd: {  	[smem:$0x3FB2] =	sst s5  }
0xe: {  	[smem:$0x3FB3] =	sst s6  }
0xf: {  	[smem:$0x3FB4] =	sst s7  }
0x10: {  	[smem:$0x3FB5] =	sst s8  }
0x11: {  	[smem:$0x3FB6] =	sst s9;
	s0 =	simm.s32 @!p0 $0x0  }
0x12: {  	s1 =	sld [smem:$0x3F9C];
	s0 =	simm.s32 @p0 $0x1  }
0x13: {  	[smem:$0x3FB7] =	sst s0;
	s0 =	simm.s32 @!p1 $0x0  }
0x14: {  	s2 =	sld [smem:$0x3F9B];
	s0 =	simm.s32 @p1 $0x1  }
0x15: {  	[smem:$0x3FB8] =	sst s0;
	s0 =	simm.s32 @!p2 $0x0  }
0x16: {  	s3 =	sld [smem:$0x3FDB];
	s0 =	simm.s32 @p2 $0x1  }
0x17: {  	s4 =	simm.s32 $0x1BF5;
	[smem:$0x3FBA] =	sst s0  }
0x18: {  	s0 =	sld [smem:$0x3F9D];
	_ =	swait.ge [sflag:s4], $0x0  }
0x19: {  	s7 =	sld [smem:$0x3F9E]  }
0x1a: {  	s8 =	sadd.s32 $0xFFFFE003, lr  }
0x1b: {  	s9 =	sadd.s32 $0xFFFFFEF7, lr;
	s5 =	simm.s32 $0xFFFFFFFF;
	p2 =	slt.u32 s8, $0xFFFFF086  }
0x1c: {  	p1 =	slt.u32 s9, $0xF7A;
	s5 =	simm.s32 @!p2 $0x0  }
0x1d: {  	s5 =	simm.s32 @p1 $0x1;
	p0 =	seq.s32 s7, s2  }
0x1e: {  	s7 =	smul.u32 @!p0 $0xF7A, s2;
	p2 =	seq.s32 @!p0 s5, $0x0  }
0x1f: {  	s9 =	smul.u32 $0xF7A, s1;
	s8 =	simm.s32 @!p0 $0x1BF5;
	p2 =	por !p2, p0  }
0x20: {  	[sflag:s8] =	ssyncset.s32 @!p0 $0xFFFFF086;
	s6 =	sadd.s32 @!p0 s3, s7;
	s7 =	simm.s32 @!p0 $0x108  }
0x21: {  	s3 =	sadd.s32 s3, s9;
	s6 =	sadd.s32 @!p0 $0x88, s6;
	s7 =	simm.s32 @p2 $0x1082  }
0x22: {  	[simem:s7], [sflag:s8] =	dma.local @!p0 [hbm:s6], $0xF7A  }
0x23: {  	s9 =	sor.u32 $0xD0000000, s2;
	s6 =	simm.s32 $0x108;
	_ =	swait.ge @!p0 [sflag:s8], $0x0  }
0x24: {  	s3 =	sadd.s32 $0x88, s3;
	s6 =	simm.s32 @!p1 $0x1082;
	[sflag:s4] =	ssyncset.s32 $0xFFFFF086  }
0x25: {  	[simem:s6], [sflag:s4] =	dma.local [hbm:s3], $0xF7A  }
0x26: {  	[smem:$0x3F9E] =	sst s1;
	(tag) =	ssettag s2;
	_ =	strace s9  }
0x27: {  	s1 =	sld [smem:$0x3FAE]  }
0x28: {  	s2 =	sld [smem:$0x3FAF]  }
0x29: {  	s4 =	sld [smem:$0x3FB1]  }
0x2a: {  	p0 =	seq.s32 s5, $0x0;
	s5 =	sld [smem:$0x3FB2]  }
0x2b: {  	s6 =	sld [smem:$0x3FB3]  }
0x2c: {  	s7 =	sld [smem:$0x3FB4]  }
0x2d: {  	s3 =	simm.s32 $0x108;
	s8 =	sld [smem:$0x3FB5]  }
0x2e: {  	s3 =	simm.s32 @!p0 $0x1082;
	s9 =	sld [smem:$0x3FB6]  }
0x2f: {  	lr =	sadd.s32 s0, s3;
	s0 =	sld [smem:$0x3FAD]  }
0x30: {  	s3 =	sld [smem:$0x3FB0]  }
0x31: {  	[smem:$0x3FB9] =	sst s10  }
0x32: {  	s10 =	sld [smem:$0x3FB7];
	_ =	sdelay $0x3  }
0x33: {  	p0 =	seq.s32 s10, $0x1;
	s10 =	sld [smem:$0x3FB9];
	_ =	sdelay $0x3  }
0x34: {  	[smem:$0x3FB9] =	sst s10  }
0x35: {  	s10 =	sld [smem:$0x3FB8];
	_ =	sdelay $0x3  }
0x36: {  	p1 =	seq.s32 s10, $0x1;
	s10 =	sld [smem:$0x3FB9];
	_ =	sdelay $0x3  }
0x37: {  	[smem:$0x3FB9] =	sst s10  }
0x38: {  	s10 =	sld [smem:$0x3FBA]  }
0x39: {  	_ = 	snop;
	(pc) =	sbr.ind lr, $3  }
0x3a: {  	_ = 	snop  }
0x3b: {  	_ = 	snop  }
0x3c: {  	p2 =	seq.s32 s10, $0x1;
	s10 =	sld [smem:$0x3FB9]  }
0x3d: {  	_ =	shalt  }
0x3e: {  	_ =	shalt  }
0x3f: {  	_ =	shalt  }
0x40: {  	_ =	shalt  }
0x41: {  	_ =	shalt  }
0x42: {  	_ =	shalt  }
0x43: {  	_ =	shalt  }
0x44: {  	_ =	shalt  }
0x45: {  	_ =	shalt  }
0x46: {  	_ =	shalt  }
0x47: {  	_ =	shalt  }
0x48: {  	_ =	shalt  }
0x49: {  	_ =	shalt  }
0x4a: {  	_ =	shalt  }
0x4b: {  	_ =	shalt  }
0x4c: {  	_ =	shalt  }
0x4d: {  	_ =	shalt  }
0x4e: {  	_ =	shalt  }
0x4f: {  	_ =	shalt  }
0x50: {  	_ =	shalt  }
0x51: {  	_ =	shalt  }
0x52: {  	_ =	shalt  }
0x53: {  	_ =	shalt  }
0x54: {  	_ =	shalt  }
0x55: {  	_ =	shalt  }
0x56: {  	_ =	shalt  }
0x57: {  	_ =	shalt  }
0x58: {  	_ =	shalt  }
0x59: {  	_ =	shalt  }
0x5a: {  	_ =	shalt  }
0x5b: {  	_ =	shalt  }
0x5c: {  	_ =	shalt  }
0x5d: {  	_ =	shalt  }
0x5e: {  	_ =	shalt  }
0x5f: {  	_ =	shalt  }
0x60: {  	_ =	shalt  }
0x61: {  	_ =	shalt  }
0x62: {  	_ =	shalt  }
0x63: {  	_ =	shalt  }
0x64: {  	_ =	shalt  }
0x65: {  	_ =	shalt  }
0x66: {  	_ =	shalt  }
0x67: {  	_ =	shalt  }
0x68: {  	_ =	shalt  }
0x69: {  	_ =	shalt  }
0x6a: {  	_ =	shalt  }
0x6b: {  	_ =	shalt  }
0x6c: {  	_ =	shalt  }
0x6d: {  	_ =	shalt  }
0x6e: {  	_ =	shalt  }
0x6f: {  	_ =	shalt  }
0x70: {  	_ =	shalt  }
0x71: {  	_ =	shalt  }
0x72: {  	_ =	shalt  }
0x73: {  	_ =	shalt  }
0x74: {  	_ =	shalt  }
0x75: {  	_ =	shalt  }
0x76: {  	_ =	shalt  }
0x77: {  	_ =	shalt  }
0x78: {  	_ =	shalt  }
0x79: {  	_ =	shalt  }
0x7a: {  	_ =	shalt  }
0x7b: {  	_ =	shalt  }
0x7c: {  	_ =	shalt  }
0x7d: {  	_ =	shalt  }
0x7e: {  	_ =	shalt  }
0x7f: {  	_ =	shalt  }
0x80: {  	_ =	shalt  }
0x81: {  	_ =	shalt  }
0x82: {  	_ =	shalt  }
0x83: {  	_ =	shalt  }
0x84: {  	_ =	shalt  }
0x85: {  	_ =	shalt  }
0x86: {  	_ =	shalt  }
0x87: {  	_ =	shalt  }
.Lfunc_end0:
.L_simem_size_0:
called_computation_lowered:
.L_overlay_start_0:
0x88: {  	s2 =	sld [smem:$0x3FD9]  }
0x89: {  	s3 =	sld [smem:$0x3FFE];
	_ =	sdelay $0x1  }
0x8a: {  	s1 =	srdreg.scid  }
0x8b: {  	s0 =	sand.u32 $0x1, s1  }
0x8c: {  	s14 =	sshll.u32 s0, $0xA;
	s2 =	sadd.s32 s3, s2  }
0x8d: {  	s2 =	sadd.s32 s2, s14  }
0x8e: {  	[smem:$0x3FC5] =	sst s2  }
0x8f: {  	_ = 	snop  }
0x90: {  	s2 =	sld [smem:$0x3FD0];
	_ =	sdelay $0x2  }
0x91: {  	s15 =	simm.s32 $0xA;
	s4 =	simm.s32 $0x10  }
0x92: {  	[smem:s4], [sflag:s15] =	dma.local [hbm:s2], $0x1  }
0x93: {  	_ =	swait.eq [sflag:s15], $0x1  }
0x94: {  	[sflag:s15] =	ssyncset.done $0x0  }
0x95: {  	[sflag:s15] =	ssyncadd.s32 $0xFFFFFFFF  }
0x96: {  	s16 =	sld [smem:$0x10];
	(tm) =	ssettm $0x1  }
0x97: {  	s17 =	sld [smem:$0x3FFB];
	_ =	sdelay $0x3  }
0x98: {  	_ =	strace s17  }
0x99: {  	s3 =	sld [smem:$0x3FFC];
	_ =	sdelay $0x3  }
0x9a: {  	_ =	strace s3  }
0x9b: {  	s3 =	sld [smem:$0x3FFD];
	_ =	sdelay $0x3  }
0x9c: {  	_ =	strace s3  }
0x9d: {  	_ =	strace $0x8FFFFFFF  }
0x9e: {  	s18 =	sld [smem:$0x3FDB];
	_ =	sdelay $0x1  }
0x9f: {  	s19 =	simm.s32 $_scs_section_size  }
0xa0: {  	s5 =	simm.s32 $_size__tile_overlayer_lowered;
	s6 =	simm.s32 $_tile_overlayer_lowered  }
0xa1: {  	s22 =	simm.s32 $0x1BFF;
	s21 =	sshll.u32 s6, $0x1;
	s3 =	sadd.s32 s19, s18  }
0xa2: {  	s7 =	simm.s32 $0x0;
	s20 =	sshll.u32 s5, $0x1;
	s5 =	sadd.s32 s21, s3  }
0xa3: {  	[timem:s7], [sflag:s22] =	dma.local [hbm:s5], s20  }
0xa4: {  	_ =	swait.ge [sflag:s22], s20  }
0xa5: {  	s4 =	ssub.s32 $0x0, s20;
	[sflag:s22] =	ssyncset.done $0x0  }
0xa6: {  	[sflag:s22] =	ssyncadd.s32 s4;
	_ =	sdelay $0x1  }
0xa7: {  	s23 =	simm.s32 $0x1B8B  }
0xa8: {  	_ =	swait.ge [sflag:s23], $0x1  }
0xa9: {  	[sflag:s23] =	ssyncset.done $0x0  }
0xaa: {  	s25 =	simm.s32 $0x1B8E;
	s24 =	sld [smem:$0x3FFE];
	[sflag:s23] =	ssyncadd.s32 $0xFFFFFFFF  }
0xab: {  	s26 =	simm.s32 $execute0_lowered;
	[smem:$0x3FD2] =	sst s25  }
0xac: {  	s5 =	sshll.u32 s26, $0x1;
	_ =	strace $0x80000046;
	[dreg:$0x1] =	wrdreg $0xFFFFFFFF  }
0xad: {  	s28 =	simm.s32 $_size_execute0_lowered;
	s3 =	sadd.s32 s3, s5;
	[dreg:$0x0] =	wrdreg $0x0  }
0xae: {  	s5 =	sshll.u32 s28, $0x1;
	[dreg:$0x2] =	wrdreg s3  }
0xaf: {  	[dreg:$0x3] =	wrdreg s5  }
0xb0: {  	[dreg:$0x4] =	wrdreg $0xC0  }
0xb1: {  	_ =	task [dreg:s7], $0x5FFFF  }
0xb2: {  	[dreg:$0x1] =	wrdreg $0xFFFFFFFF  }
0xb3: {  	[dreg:$0x0] =	wrdreg $0x60  }
0xb4: {  	[dreg:$0x2] =	wrdreg s24  }
0xb5: {  	[dreg:$0x3] =	wrdreg s16  }
0xb6: {  	[dreg:$0x4] =	wrdreg $0x9  }
0xb7: {  	_ =	task.clear_ibuf [dreg:s7], $0x5FFFF;
	_ =	strace $0x90000046  }
0xb8: {  	s29 =	simm.s32 $0x9;
	_ =	strace $0x80000048  }
0xb9: {  	_ =	swait.ge [sflag:s29], $0x1  }
0xba: {  	[sflag:s29] =	ssyncadd.s32 $0xFFFFFFFF  }
0xbb: {  	_ =	strace $0x90000048  }
0xbc: {  	_ =	sfence  }
0xbd: {  	s30 =	sld [smem:$0x0];
	_ =	sdelay $0x2  }
0xbe: {  	s31 =	sshll.u32 s1, $0xD;
	s1 =	sshrl.u32 s1, $0x2  }
0xbf: {  	s3 =	sand.u32 $0x4000, s31;
	s1 =	sadd.s32 s1, s30  }
0xc0: {  	s0 =	sor.u32 s3, s0;
	s1 =	sshll.u32 s1, $0x11  }
0xc1: {  	s0 =	sor.u32 s1, s0  }
0xc2: {  	s0 =	sadd.s32 $0x8F2B, s0  }
0xc3: {  	[sflag:s0] =	ssyncadd.remote.s32 $0x1  }
0xc4: {  	_ =	sfence.sel $0xFFFF  }
0xc5: {  	[dreg:$0x0] =	wrdreg $0xFFFFFFFF;
	(pc) =	sbr.abs _section_cstart, $3  }
0xc6: {  	[dreg:$0x1] =	wrdreg $0xFFFFFFFF  }
0xc7: {  	_ =	task.clear_ibuf [dreg:s7], $0x2FFFF;
	_ =	strace $0x9FFFFFFF  }
0xc8: {  	(tm) =	ssettm $0x7FFFFFFF  }
0xc9: {  	_ =	shalt  }
tec
execute0_lowered:
.L_overlay_start_1:
0x0: {  	(tag) =	ssettag $0x1  }
0x1: {  	s1 =	srdreg.scid  }
0x2: {  	s0 =	stileid.u32;
	s6 =	sand.u32 $0x1, s1  }
0x3: {  	s5 =	rddreg [dreg:$0x0];
	s30 =	sshll.u32 s0, $0xB;
	s2 =	sshll.u32 s6, $0xA  }
0x4: {  	s8 =	rddreg [dreg:$0x1];
	s9 =	sor.u32 s2, s30  }
0x5: {  	s1 =	rddreg [dreg:$0x2];
	s2 =	simm.s32 $0x0;
	s3 =	sshrl.u32 s9, $0x3  }
0x6: {  	s10 =	ssub.s32 $0x2, s6;
	[smem:$0x7FF] =	sst s2;
	s3 =	sadd.s32 s3, s5  }
0x7: {  	_ =	strace $0x80000047;
	s4 =	sadd.s32 $0x8C00, s3;
	s3 =	simm.s32 $0x2  }
0x8: {  	[tilespmem:s2], [sflag:$0x2] =	stream.linear.gather [hbm4b:s4+s2], $0x400, $0x38;
	[tilespmem:$0x8400] =	vst v63  }
0x9: {  	s7 =	simm.s32 $0x1;
	s11 =	sshrl.u32 s10, $0x1;
	_ =	swait.ge [sflag:s3], $0x400  }
0xa: {  	s6 =	simm.s32 $0x400;
	s10 =	ssub.s32 s10, s11;
	[sflag:s3] =	ssyncset.done $0x0  }
0xb: {  	s5 =	sadd.s32 $0xC00, s5;
	s31 =	smax.u32 s10, $0x1;
	[sflag:s3] =	ssyncadd.s32 $0xFFFFFC00  }
0xc: {  	[tilespmem:s6], [sflag:$0x1] =	stream.indirect.gather [hbm4b:s5+s6], $0x20, s2, s6, $0xb8;
	[tilespmem:$0x8400] =	vst v63  }
0xd: {  	p0 =	sne.s32 s31, $0x1;
	_ =	swait.ge [sflag:s7], $0x8000  }
.Ltmp0:
0xe: {  	s9 =	sshll.u32 s9, $0x2;
	[sflag:s7] =	ssyncset.done $0x0;
	(pc) =	sbr.rel @!p0 .LBB2_2-.Ltmp0, $4  }
0xf: {  	s8 =	sadd.s32 s8, s9;
	[sflag:s7] =	ssyncadd.s32 $0xFFFF8000  }
0x10: {  	[hbm4b:s8+s2] =	stream.linear.scatter [tilespmem:s6], [sflag:$0x2], $0x8000, $0x38;
	[tilespmem:$0x8400] =	vst v63  }
0x11: {  	_ =	swait.ge [sflag:s3], $0x8000  }
0x12: {  	s9 =	sadd.s32 $0xFFFFFFFF, s31;
	[sflag:s3] =	ssyncset.done $0x0  }
.LBB2_1:
0x13: {  	p0 =	sne.s32 s9, $0x1;
	s9 =	sadd.s32 $0xFFFFFFFF, s9;
	[sflag:s3] =	ssyncadd.s32 $0xFFFF8000  }
0x14: {  	[tilespmem:s2], [sflag:$0x2] =	stream.linear.gather [hbm4b:s4+s2], $0x400, $0x38;
	[tilespmem:$0x8400] =	vst v63  }
0x15: {  	_ =	swait.ge [sflag:s3], $0x400  }
0x16: {  	[sflag:s3] =	ssyncset.done $0x0  }
0x17: {  	[sflag:s3] =	ssyncadd.s32 $0xFFFFFC00  }
0x18: {  	[tilespmem:s6], [sflag:$0x1] =	stream.indirect.gather [hbm4b:s5+s6], $0x20, s2, s6, $0xb8;
	[tilespmem:$0x8400] =	vst v63  }
0x19: {  	_ =	swait.ge [sflag:s7], $0x8000  }
.Ltmp1:
0x1a: {  	[sflag:s7] =	ssyncset.done $0x0;
	(pc) =	sbr.rel @p0 .LBB2_1-.Ltmp1, $4  }
0x1b: {  	[sflag:s7] =	ssyncadd.s32 $0xFFFF8000  }
0x1c: {  	[hbm4b:s8+s2] =	stream.linear.scatter [tilespmem:s6], [sflag:$0x2], $0x8000, $0x38;
	[tilespmem:$0x8400] =	vst v63  }
0x1d: {  	_ =	swait.ge [sflag:s3], $0x8000  }
0x1e: {  	[sflag:s3] =	ssyncset.done $0x0  }
.LBB2_2:
0x1f: {  	[sflag:s3] =	ssyncadd.s32 $0xFFFF8000  }
0x20: {  	_ =	sfence.sel $0x180000  }
0x21: {  	[bflag:$0x0] =	sbarrier.arrive $0xFFFF  }
0x22: {  	p0 =	sne.s32 s0, $0x0;
	_ =	strace $0x90000047  }
0x23: {  	s0 =	sadd.s32 @!p0 $0x100000, s1;
	[bflag:$0x2] =	sbarrier.arrive $0xFFFF  }
0x24: {  	[sflag:s0] =	ssyncadd.tile.s32 @!p0 $0x1;
	_ =	shalt  }
.Lfunc_end2:
_tile_overlayer_lowered:
.L_overlay_start_2:
0x25: {  	(tag) =	ssettag $0x2  }
0x26: {  	s0 =	rddreg [dreg:$0x0];
	s2 =	stileid.u32  }
0x27: {  	s1 =	rddreg [dreg:$0x1];
	p0 =	sne.s32 s2, $0x0  }
0x28: {  	s3 =	rddreg [dreg:$0x2];
	[bflag:$0x3] =	sbarrier.arrive $0xFFFF;
	s2 =	simm.s32 @!p0 $0x1C02  }
0x29: {  	[timem:s3], [sflag:s2] =	dma.local @!p0 [hbm:s0], s1  }
0x2a: {  	s0 =	simm.s32 @!p0 $0x2  }
0x2b: {  	_ =	swait.ge @!p0 [sflag:s0], s1  }
0x2c: {  	s1 =	ssub.s32 @!p0 $0x0, s1;
	[sflag:s0] =	ssyncset.done @!p0 $0x0  }
0x2d: {  	[sflag:s0] =	ssyncadd.s32 @!p0 s1  }
0x2e: {  	[bflag:$0x3] =	sbarrier.arrive $0xFFFF  }
0x2f: {  	_ =	shalt  }

</sc_bundles>
